<compile_context>
chip_gen: v7x
topology: tpu7x:2x2x1
jax: 0.10.2.dev20260603
libtpu: 0.0.44.dev20260713+nightly
codegen_flags: <defaults>
</compile_context>

<pallas_src>
import functools
import jax
import jax.numpy as jnp
from jax import lax
from jax.experimental import pallas as pl
from jax.experimental.pallas import tpu as pltpu
from jax.experimental.pallas import tpu_sc as plsc

SIZE_PER_CLS = 32
N_CLASSES = 100
EMB = 64
NEG_PER_CLS = 8
BS = 512
PERM = (31, 7, 4, 29, 16, 19, 2, 5)

NC = 2
NS = 16
NW = NC * NS
B_PER_W = BS // NW
NEG_C = N_CLASSES - 1
NEG_W = NEG_C * NEG_PER_CLS
ROWS_PER_STEP = 32


def _pos_body(labels_hbm, q2_hbm, pos_hbm, lbl_v, pos_v, sem_g):
    wid = lax.axis_index("s") * NC + lax.axis_index("c")
    base = wid * B_PER_W
    pltpu.sync_copy(labels_hbm.at[pl.ds(base, B_PER_W)], lbl_v)
    gcp = pltpu.make_async_copy(q2_hbm.at[lbl_v], pos_v, sem_g)
    gcp.start()
    gcp.wait()
    pltpu.sync_copy(pos_v, pos_hbm.at[pl.ds(base, B_PER_W)])


_pos_call = functools.partial(
    pl.kernel,
    mesh=plsc.VectorSubcoreMesh(core_axis_name="c", subcore_axis_name="s"),
    out_type=jax.ShapeDtypeStruct((BS, EMB * SIZE_PER_CLS), jnp.float32),
    scratch_types=[
        pltpu.VMEM((B_PER_W,), jnp.int32),
        pltpu.VMEM((B_PER_W, EMB * SIZE_PER_CLS), jnp.float32),
        pltpu.SemaphoreType.DMA,
    ],
    compiler_params=pltpu.CompilerParams(use_tc_tiling_on_sc=False),
)(_pos_body)


def _neg_body(labels_smem, full_ref, out_ref):
    i = pl.program_id(0)
    lo = full_ref[:, : NEG_W]
    hi = full_ref[:, NEG_PER_CLS:]
    col = lax.broadcasted_iota(jnp.int32, (EMB, NEG_W), 1)
    for r in range(ROWS_PER_STEP):
        lb = labels_smem[i * ROWS_PER_STEP + r]
        out_ref[r] = jnp.where(col < NEG_PER_CLS * lb, lo, hi)


def _neg_call(labels, full):
    grid_spec = pltpu.PrefetchScalarGridSpec(
        num_scalar_prefetch=1,
        grid=(BS // ROWS_PER_STEP,),
        in_specs=[
            pl.BlockSpec((EMB, N_CLASSES * NEG_PER_CLS), lambda i, lbl: (0, 0)),
        ],
        out_specs=pl.BlockSpec(
            (ROWS_PER_STEP, EMB, NEG_W), lambda i, lbl: (i, 0, 0)),
    )
    return pl.pallas_call(
        _neg_body,
        grid_spec=grid_spec,
        out_shape=jax.ShapeDtypeStruct((BS, EMB, NEG_W), jnp.float32),
    )(labels, full)


def kernel(labels, q):
    labels = labels.astype(jnp.int32)
    q_sel = jnp.stack([q[:, :, p] for p in PERM], axis=-1)
    full = jnp.transpose(q_sel, (1, 0, 2)).reshape(EMB, N_CLASSES * NEG_PER_CLS)
    q2 = q.reshape(N_CLASSES, EMB * SIZE_PER_CLS)
    pos = _pos_call(labels, q2)
    neg = _neg_call(labels, full)
    return pos.reshape(BS, EMB, SIZE_PER_CLS), neg

# --- scband reference (transcript-rebuilt; emitter-appended) ---
"""Pipeline reference for scband-sup-queue-83777632076479 (READ-ONLY COPY).

The authoritative reference and input builder live on the scoring server;
editing this copy changes nothing except your own understanding.
"""

import jax, jax.numpy as jnp
import numpy as np

SIZE_PER_CLS = 32
N_CLASSES = 100
EMB = 64
NEG_PER_CLS = 8
BS = 512


def setup_inputs(seed: int = 0) -> dict:
    key = jax.random.key(seed)
    k1, k2 = jax.random.split(key)
    labels = jax.random.randint(k1, (BS,), 0, N_CLASSES)
    # queue buffer, normalized along embedding dim (dim=1) like F.normalize(self.q, dim=1)
    q = jax.random.normal(k2, (N_CLASSES, EMB, SIZE_PER_CLS), dtype=jnp.float32)
    norm = jnp.linalg.norm(q, axis=1, keepdims=True)
    q = q / jnp.maximum(norm, 1e-12)
    return {"labels": labels, "q": q}


def reference(labels, q):
    bs = labels.shape[0]
    # positives = self.q[labels]  -> [bs, EMB, SIZE_PER_CLS]
    positives = jnp.take(q, labels, axis=0)
    # neg_idx: for each row, all class ids except the label, ascending order
    # (equivalent to rng[~one_hot(labels)].view(bs, -1))
    base = jnp.arange(N_CLASSES - 1)
    neg_idx = base[None, :] + (base[None, :] >= labels[:, None]).astype(base.dtype)  # [bs, C-1]
    # negatives = self.q[neg_idx] -> [bs, C-1, EMB, S], then permute(0, 2, 1, 3)
    negatives = jnp.take(q, neg_idx, axis=0)              # [bs, C-1, EMB, S]
    negatives = jnp.transpose(negatives, (0, 2, 1, 3))    # [bs, EMB, C-1, S]
    # perm = torch.randperm(size_per_cls)[:negatives_per_cls], shared across batch/class
    perm = jax.random.permutation(jax.random.key(42), SIZE_PER_CLS)[:NEG_PER_CLS]
    negatives = jnp.take(negatives, perm, axis=3)         # [bs, EMB, C-1, NEG_PER_CLS]
    return positives, negatives.reshape(bs, EMB, -1)

if __name__ == "__main__":
    import jax
    _d = setup_inputs()
    print(jax.jit(kernel)(*tuple(_d.values())))

</pallas_src>

<mosaic_0001>
#map = affine_map<(d0, d1) -> (0)>
#map1 = affine_map<(d0, d1) -> (0, 0)>
module attributes {stable_mosaic.version = 14 : i64} {
  func.func @_pos_body(%arg0: i32, %arg1: i32, %arg2: memref<512xi32, #tpu.memory_space<hbm>>, %arg3: memref<100x2048xf32, #tpu.memory_space<hbm>>, %arg4: memref<512x2048xf32, #tpu.memory_space<hbm>>, %arg5: memref<16xi32, #tpu.memory_space<vmem>>, %arg6: memref<16x2048xf32, #tpu.memory_space<vmem>>, %arg7: memref<!tpu.dma_semaphore, #tpu.memory_space<semaphore_mem>>) attributes {dimension_semantics = [#tpu.dimension_semantics<core_parallel>, #tpu.dimension_semantics<subcore_parallel>], iteration_bounds = array<i64: 2, 16>, scalar_prefetch = 0 : i64, scratch_operands = 3 : i64, tpu.core_type = #tpu.core_type<sc_vector_subcore>, window_params = [{transform_indices = #map}, {transform_indices = #map1}, {transform_indices = #map1}]} {
    %mul3A = arith.constant 2 : i32
    %mul3A_0 = arith.muli %arg1, %mul3A : i32
    %add3A = arith.addi %mul3A_0, %arg0 : i32
    %mul3A_1 = arith.constant 16 : i32
    %mul3A_2 = arith.muli %add3A, %mul3A_1 : i32
    "tpu.region"() ({
      %run_scoped3A = tpu.sem_alloc : memref<!tpu.dma_semaphore, #tpu.memory_space<semaphore_mem>>
      %dma_start3A_7 = tpu.memref_slice %arg2[%mul3A_2] : memref<512xi32, #tpu.memory_space<hbm>> -> memref<16xi32, #tpu.memory_space<hbm>>
      %dma_start3A_8 = tpu.memref_slice %arg2[%mul3A_2] : memref<512xi32, #tpu.memory_space<hbm>> -> memref<16xi32, #tpu.memory_space<hbm>>
      tpu.enqueue_dma source(%dma_start3A_8 : memref<16xi32, #tpu.memory_space<hbm>>) target(%arg5 : memref<16xi32, #tpu.memory_space<vmem>>) target_semaphore(%run_scoped3A : memref<!tpu.dma_semaphore, #tpu.memory_space<semaphore_mem>>)
      %dma_wait3A_9 = tpu.memref_slice %arg2[%mul3A_2] : memref<512xi32, #tpu.memory_space<hbm>> -> memref<16xi32, #tpu.memory_space<hbm>>
      %dma_wait3A_10 = tpu.memref_slice %arg2[%mul3A_2] : memref<512xi32, #tpu.memory_space<hbm>> -> memref<16xi32, #tpu.memory_space<hbm>>
      tpu.wait_dma2 semaphore(%run_scoped3A : memref<!tpu.dma_semaphore, #tpu.memory_space<semaphore_mem>>) src(%dma_wait3A_10 : memref<16xi32, #tpu.memory_space<hbm>>) dst(%arg5 : memref<16xi32, #tpu.memory_space<vmem>>)
      tpu.yield
    }) : () -> ()
    %dma_start3A = arith.constant 0 : i32
    %dma_start3A_3 = arith.constant 0 : i32
    %dma_start3A_4 = tpu.memref_slice %arg3[%dma_start3A, %dma_start3A_3] : memref<100x2048xf32, #tpu.memory_space<hbm>> -> memref<100x2048xf32, #tpu.memory_space<hbm>>
    tpu.enqueue_indirect_dma source(%dma_start3A_4 : memref<100x2048xf32, #tpu.memory_space<hbm>>) target(%arg6 : memref<16x2048xf32, #tpu.memory_space<vmem>>) offsets(%arg5 : memref<16xi32, #tpu.memory_space<vmem>>) semaphore(%arg7 : memref<!tpu.dma_semaphore, #tpu.memory_space<semaphore_mem>>)
    %dma_wait3A = arith.constant 0 : i32
    %dma_wait3A_5 = arith.constant 0 : i32
    %dma_wait3A_6 = tpu.memref_slice %arg3[%dma_wait3A, %dma_wait3A_5] : memref<100x2048xf32, #tpu.memory_space<hbm>> -> memref<100x2048xf32, #tpu.memory_space<hbm>>
    tpu.wait_indirect_dma semaphore(%arg7 : memref<!tpu.dma_semaphore, #tpu.memory_space<semaphore_mem>>) src(%dma_wait3A_6 : memref<100x2048xf32, #tpu.memory_space<hbm>>) dst(%arg6 : memref<16x2048xf32, #tpu.memory_space<vmem>>)
    "tpu.region"() ({
      %run_scoped3A = tpu.sem_alloc : memref<!tpu.dma_semaphore, #tpu.memory_space<semaphore_mem>>
      %dma_start3A_7 = arith.constant 0 : i32
      %dma_start3A_8 = tpu.memref_slice %arg4[%mul3A_2, %dma_start3A_7] : memref<512x2048xf32, #tpu.memory_space<hbm>> -> memref<16x2048xf32, #tpu.memory_space<hbm>>
      %dma_start3A_9 = arith.constant 0 : i32
      %dma_start3A_10 = tpu.memref_slice %arg4[%mul3A_2, %dma_start3A_9] : memref<512x2048xf32, #tpu.memory_space<hbm>> -> memref<16x2048xf32, #tpu.memory_space<hbm>>
      tpu.enqueue_dma source(%arg6 : memref<16x2048xf32, #tpu.memory_space<vmem>>) target(%dma_start3A_10 : memref<16x2048xf32, #tpu.memory_space<hbm>>) target_semaphore(%run_scoped3A : memref<!tpu.dma_semaphore, #tpu.memory_space<semaphore_mem>>)
      %dma_wait3A_11 = arith.constant 0 : i32
      %dma_wait3A_12 = tpu.memref_slice %arg4[%mul3A_2, %dma_wait3A_11] : memref<512x2048xf32, #tpu.memory_space<hbm>> -> memref<16x2048xf32, #tpu.memory_space<hbm>>
      %dma_wait3A_13 = arith.constant 0 : i32
      %dma_wait3A_14 = tpu.memref_slice %arg4[%mul3A_2, %dma_wait3A_13] : memref<512x2048xf32, #tpu.memory_space<hbm>> -> memref<16x2048xf32, #tpu.memory_space<hbm>>
      tpu.wait_dma2 semaphore(%run_scoped3A : memref<!tpu.dma_semaphore, #tpu.memory_space<semaphore_mem>>) src(%arg6 : memref<16x2048xf32, #tpu.memory_space<vmem>>) dst(%dma_wait3A_14 : memref<16x2048xf32, #tpu.memory_space<hbm>>)
      tpu.yield
    }) : () -> ()
    return
  }
}

module attributes {stable_mosaic.version = 14 : i64} {
  func.func @_neg_body(%arg0: i32, %arg1: memref<512xi32, #tpu.memory_space<smem>>, %arg2: memref<64x800xf32, #tpu.memory_space<vmem>>, %arg3: memref<32x64x792xf32, #tpu.memory_space<vmem>>) attributes {dimension_semantics = [#tpu.dimension_semantics<arbitrary>], iteration_bounds = array<i64: 16>, scalar_prefetch = 1 : i64, scratch_operands = 0 : i64, tpu.core_type = #tpu.core_type<tc>, window_params = [{pipeline_mode = #tpu.pipeline_mode<synchronous>, transform_indices = @transform_0, window_bounds = array<i64: 64, 800>}, {transform_indices = @transform_1, window_bounds = array<i64: 32, 64, 792>}]} {
    %get3A = arith.constant 0 : index
    %get3A_0 = arith.constant 0 : index
    %get3A_1 = vector.load %arg2[%get3A, %get3A_0] : memref<64x800xf32, #tpu.memory_space<vmem>>, vector<64x792xf32>
    %get3A_2 = arith.constant 0 : index
    %get3A_3 = arith.constant 8 : index
    %get3A_4 = vector.load %arg2[%get3A_2, %get3A_3] : memref<64x800xf32, #tpu.memory_space<vmem>>, vector<64x792xf32>
    %iota3A = tpu.iota {dimensions = array<i32: 1>} : vector<64x792xi32>
    %mul3A = arith.constant 32 : i32
    %mul3A_5 = arith.muli %arg0, %mul3A : i32
    %add3A = arith.constant 0 : i32
    %add3A_6 = arith.addi %mul3A_5, %add3A : i32
    %get3A_7 = arith.index_cast %add3A_6 : i32 to index
    %get3A_8 = memref.load %arg1[%get3A_7] : memref<512xi32, #tpu.memory_space<smem>>
    %mul3A_9 = arith.constant 8 : i32
    %mul3A_10 = arith.muli %mul3A_9, %get3A_8 : i32
    %lt3A = vector.broadcast %mul3A_10 : i32 to vector<64x792xi32>
    %lt3A_11 = arith.cmpi slt, %iota3A, %lt3A : vector<64x792xi32>
    %select_n3A = arith.select %lt3A_11, %get3A_1, %get3A_4 : vector<64x792xi1>, vector<64x792xf32>
    %swap3A = arith.constant 0 : index
    %swap3A_12 = arith.constant 0 : index
    %swap3A_13 = arith.constant 0 : index
    %swap3A_14 = vector.load %arg3[%swap3A, %swap3A_12, %swap3A_13] : memref<32x64x792xf32, #tpu.memory_space<vmem>>, vector<1x64x792xf32>
    %swap3A_15 = vector.shape_cast %swap3A_14 : vector<1x64x792xf32> to vector<64x792xf32>
    %swap3A_16 = vector.shape_cast %select_n3A : vector<64x792xf32> to vector<1x64x792xf32>
    tpu.vector_store %arg3[%swap3A, %swap3A_12, %swap3A_13], %swap3A_16 {strides = array<i32>} : memref<32x64x792xf32, #tpu.memory_space<vmem>>, vector<1x64x792xf32>,
    %mul3A_17 = arith.constant 32 : i32
    %mul3A_18 = arith.muli %arg0, %mul3A_17 : i32
    %add3A_19 = arith.constant 1 : i32
    %add3A_20 = arith.addi %mul3A_18, %add3A_19 : i32
    %get3A_21 = arith.index_cast %add3A_20 : i32 to index
    %get3A_22 = memref.load %arg1[%get3A_21] : memref<512xi32, #tpu.memory_space<smem>>
    %mul3A_23 = arith.constant 8 : i32
    %mul3A_24 = arith.muli %mul3A_23, %get3A_22 : i32
    %lt3A_25 = vector.broadcast %mul3A_24 : i32 to vector<64x792xi32>
    %lt3A_26 = arith.cmpi slt, %iota3A, %lt3A_25 : vector<64x792xi32>
    %select_n3A_27 = arith.select %lt3A_26, %get3A_1, %get3A_4 : vector<64x792xi1>, vector<64x792xf32>
    %swap3A_28 = arith.constant 1 : index
    %swap3A_29 = arith.constant 0 : index
    %swap3A_30 = arith.constant 0 : index
    %swap3A_31 = vector.load %arg3[%swap3A_28, %swap3A_29, %swap3A_30] : memref<32x64x792xf32, #tpu.memory_space<vmem>>, vector<1x64x792xf32>
    %swap3A_32 = vector.shape_cast %swap3A_31 : vector<1x64x792xf32> to vector<64x792xf32>
    %swap3A_33 = vector.shape_cast %select_n3A_27 : vector<64x792xf32> to vector<1x64x792xf32>
    tpu.vector_store %arg3[%swap3A_28, %swap3A_29, %swap3A_30], %swap3A_33 {strides = array<i32>} : memref<32x64x792xf32, #tpu.memory_space<vmem>>, vector<1x64x792xf32>,
    %mul3A_34 = arith.constant 32 : i32
    %mul3A_35 = arith.muli %arg0, %mul3A_34 : i32
    %add3A_36 = arith.constant 2 : i32
    %add3A_37 = arith.addi %mul3A_35, %add3A_36 : i32
    %get3A_38 = arith.index_cast %add3A_37 : i32 to index
    %get3A_39 = memref.load %arg1[%get3A_38] : memref<512xi32, #tpu.memory_space<smem>>
    %mul3A_40 = arith.constant 8 : i32
    %mul3A_41 = arith.muli %mul3A_40, %get3A_39 : i32
    %lt3A_42 = vector.broadcast %mul3A_41 : i32 to vector<64x792xi32>
    %lt3A_43 = arith.cmpi slt, %iota3A, %lt3A_42 : vector<64x792xi32>
    %select_n3A_44 = arith.select %lt3A_43, %get3A_1, %get3A_4 : vector<64x792xi1>, vector<64x792xf32>
    %swap3A_45 = arith.constant 2 : index
    %swap3A_46 = arith.constant 0 : index
    %swap3A_47 = arith.constant 0 : index
    %swap3A_48 = vector.load %arg3[%swap3A_45, %swap3A_46, %swap3A_47] : memref<32x64x792xf32, #tpu.memory_space<vmem>>, vector<1x64x792xf32>
    %swap3A_49 = vector.shape_cast %swap3A_48 : vector<1x64x792xf32> to vector<64x792xf32>
    %swap3A_50 = vector.shape_cast %select_n3A_44 : vector<64x792xf32> to vector<1x64x792xf32>
    tpu.vector_store %arg3[%swap3A_45, %swap3A_46, %swap3A_47], %swap3A_50 {strides = array<i32>} : memref<32x64x792xf32, #tpu.memory_space<vmem>>, vector<1x64x792xf32>,
    %mul3A_51 = arith.constant 32 : i32
    %mul3A_52 = arith.muli %arg0, %mul3A_51 : i32
    %add3A_53 = arith.constant 3 : i32
    %add3A_54 = arith.addi %mul3A_52, %add3A_53 : i32
    %get3A_55 = arith.index_cast %add3A_54 : i32 to index
    %get3A_56 = memref.load %arg1[%get3A_55] : memref<512xi32, #tpu.memory_space<smem>>
    %mul3A_57 = arith.constant 8 : i32
    %mul3A_58 = arith.muli %mul3A_57, %get3A_56 : i32
    %lt3A_59 = vector.broadcast %mul3A_58 : i32 to vector<64x792xi32>
    %lt3A_60 = arith.cmpi slt, %iota3A, %lt3A_59 : vector<64x792xi32>
    %select_n3A_61 = arith.select %lt3A_60, %get3A_1, %get3A_4 : vector<64x792xi1>, vector<64x792xf32>
    %swap3A_62 = arith.constant 3 : index
    %swap3A_63 = arith.constant 0 : index
    %swap3A_64 = arith.constant 0 : index
    %swap3A_65 = vector.load %arg3[%swap3A_62, %swap3A_63, %swap3A_64] : memref<32x64x792xf32, #tpu.memory_space<vmem>>, vector<1x64x792xf32>
    %swap3A_66 = vector.shape_cast %swap3A_65 : vector<1x64x792xf32> to vector<64x792xf32>
    %swap3A_67 = vector.shape_cast %select_n3A_61 : vector<64x792xf32> to vector<1x64x792xf32>
    tpu.vector_store %arg3[%swap3A_62, %swap3A_63, %swap3A_64], %swap3A_67 {strides = array<i32>} : memref<32x64x792xf32, #tpu.memory_space<vmem>>, vector<1x64x792xf32>,
    %mul3A_68 = arith.constant 32 : i32
    %mul3A_69 = arith.muli %arg0, %mul3A_68 : i32
    %add3A_70 = arith.constant 4 : i32
    %add3A_71 = arith.addi %mul3A_69, %add3A_70 : i32
    %get3A_72 = arith.index_cast %add3A_71 : i32 to index
    %get3A_73 = memref.load %arg1[%get3A_72] : memref<512xi32, #tpu.memory_space<smem>>
    %mul3A_74 = arith.constant 8 : i32
    %mul3A_75 = arith.muli %mul3A_74, %get3A_73 : i32
    %lt3A_76 = vector.broadcast %mul3A_75 : i32 to vector<64x792xi32>
    %lt3A_77 = arith.cmpi slt, %iota3A, %lt3A_76 : vector<64x792xi32>
    %select_n3A_78 = arith.select %lt3A_77, %get3A_1, %get3A_4 : vector<64x792xi1>, vector<64x792xf32>
    %swap3A_79 = arith.constant 4 : index
    %swap3A_80 = arith.constant 0 : index
    %swap3A_81 = arith.constant 0 : index
    %swap3A_82 = vector.load %arg3[%swap3A_79, %swap3A_80, %swap3A_81] : memref<32x64x792xf32, #tpu.memory_space<vmem>>, vector<1x64x792xf32>
    %swap3A_83 = vector.shape_cast %swap3A_82 : vector<1x64x792xf32> to vector<64x792xf32>
    %swap3A_84 = vector.shape_cast %select_n3A_78 : vector<64x792xf32> to vector<1x64x792xf32>
    tpu.vector_store %arg3[%swap3A_79, %swap3A_80, %swap3A_81], %swap3A_84 {strides = array<i32>} : memref<32x64x792xf32, #tpu.memory_space<vmem>>, vector<1x64x792xf32>,
    %mul3A_85 = arith.constant 32 : i32
    %mul3A_86 = arith.muli %arg0, %mul3A_85 : i32
    %add3A_87 = arith.constant 5 : i32
    %add3A_88 = arith.addi %mul3A_86, %add3A_87 : i32
    %get3A_89 = arith.index_cast %add3A_88 : i32 to index
    %get3A_90 = memref.load %arg1[%get3A_89] : memref<512xi32, #tpu.memory_space<smem>>
    %mul3A_91 = arith.constant 8 : i32
    %mul3A_92 = arith.muli %mul3A_91, %get3A_90 : i32
    %lt3A_93 = vector.broadcast %mul3A_92 : i32 to vector<64x792xi32>
    %lt3A_94 = arith.cmpi slt, %iota3A, %lt3A_93 : vector<64x792xi32>
    %select_n3A_95 = arith.select %lt3A_94, %get3A_1, %get3A_4 : vector<64x792xi1>, vector<64x792xf32>
    %swap3A_96 = arith.constant 5 : index
    %swap3A_97 = arith.constant 0 : index
    %swap3A_98 = arith.constant 0 : index
    %swap3A_99 = vector.load %arg3[%swap3A_96, %swap3A_97, %swap3A_98] : memref<32x64x792xf32, #tpu.memory_space<vmem>>, vector<1x64x792xf32>
    %swap3A_100 = vector.shape_cast %swap3A_99 : vector<1x64x792xf32> to vector<64x792xf32>
    %swap3A_101 = vector.shape_cast %select_n3A_95 : vector<64x792xf32> to vector<1x64x792xf32>
    tpu.vector_store %arg3[%swap3A_96, %swap3A_97, %swap3A_98], %swap3A_101 {strides = array<i32>} : memref<32x64x792xf32, #tpu.memory_space<vmem>>, vector<1x64x792xf32>,
    %mul3A_102 = arith.constant 32 : i32
    %mul3A_103 = arith.muli %arg0, %mul3A_102 : i32
    %add3A_104 = arith.constant 6 : i32
    %add3A_105 = arith.addi %mul3A_103, %add3A_104 : i32
    %get3A_106 = arith.index_cast %add3A_105 : i32 to index
    %get3A_107 = memref.load %arg1[%get3A_106] : memref<512xi32, #tpu.memory_space<smem>>
    %mul3A_108 = arith.constant 8 : i32
    %mul3A_109 = arith.muli %mul3A_108, %get3A_107 : i32
    %lt3A_110 = vector.broadcast %mul3A_109 : i32 to vector<64x792xi32>
    %lt3A_111 = arith.cmpi slt, %iota3A, %lt3A_110 : vector<64x792xi32>
    %select_n3A_112 = arith.select %lt3A_111, %get3A_1, %get3A_4 : vector<64x792xi1>, vector<64x792xf32>
    %swap3A_113 = arith.constant 6 : index
    %swap3A_114 = arith.constant 0 : index
    %swap3A_115 = arith.constant 0 : index
    %swap3A_116 = vector.load %arg3[%swap3A_113, %swap3A_114, %swap3A_115] : memref<32x64x792xf32, #tpu.memory_space<vmem>>, vector<1x64x792xf32>
    %swap3A_117 = vector.shape_cast %swap3A_116 : vector<1x64x792xf32> to vector<64x792xf32>
    %swap3A_118 = vector.shape_cast %select_n3A_112 : vector<64x792xf32> to vector<1x64x792xf32>
    tpu.vector_store %arg3[%swap3A_113, %swap3A_114, %swap3A_115], %swap3A_118 {strides = array<i32>} : memref<32x64x792xf32, #tpu.memory_space<vmem>>, vector<1x64x792xf32>,
    %mul3A_119 = arith.constant 32 : i32
    %mul3A_120 = arith.muli %arg0, %mul3A_119 : i32
    %add3A_121 = arith.constant 7 : i32
    %add3A_122 = arith.addi %mul3A_120, %add3A_121 : i32
    %get3A_123 = arith.index_cast %add3A_122 : i32 to index
    %get3A_124 = memref.load %arg1[%get3A_123] : memref<512xi32, #tpu.memory_space<smem>>
    %mul3A_125 = arith.constant 8 : i32
    %mul3A_126 = arith.muli %mul3A_125, %get3A_124 : i32
    %lt3A_127 = vector.broadcast %mul3A_126 : i32 to vector<64x792xi32>
    %lt3A_128 = arith.cmpi slt, %iota3A, %lt3A_127 : vector<64x792xi32>
    %select_n3A_129 = arith.select %lt3A_128, %get3A_1, %get3A_4 : vector<64x792xi1>, vector<64x792xf32>
    %swap3A_130 = arith.constant 7 : index
    %swap3A_131 = arith.constant 0 : index
    %swap3A_132 = arith.constant 0 : index
    %swap3A_133 = vector.load %arg3[%swap3A_130, %swap3A_131, %swap3A_132] : memref<32x64x792xf32, #tpu.memory_space<vmem>>, vector<1x64x792xf32>
    %swap3A_134 = vector.shape_cast %swap3A_133 : vector<1x64x792xf32> to vector<64x792xf32>
    %swap3A_135 = vector.shape_cast %select_n3A_129 : vector<64x792xf32> to vector<1x64x792xf32>
    tpu.vector_store %arg3[%swap3A_130, %swap3A_131, %swap3A_132], %swap3A_135 {strides = array<i32>} : memref<32x64x792xf32, #tpu.memory_space<vmem>>, vector<1x64x792xf32>,
    %mul3A_136 = arith.constant 32 : i32
    %mul3A_137 = arith.muli %arg0, %mul3A_136 : i32
    %add3A_138 = arith.constant 8 : i32
    %add3A_139 = arith.addi %mul3A_137, %add3A_138 : i32
    %get3A_140 = arith.index_cast %add3A_139 : i32 to index
    %get3A_141 = memref.load %arg1[%get3A_140] : memref<512xi32, #tpu.memory_space<smem>>
    %mul3A_142 = arith.constant 8 : i32
    %mul3A_143 = arith.muli %mul3A_142, %get3A_141 : i32
    %lt3A_144 = vector.broadcast %mul3A_143 : i32 to vector<64x792xi32>
    %lt3A_145 = arith.cmpi slt, %iota3A, %lt3A_144 : vector<64x792xi32>
    %select_n3A_146 = arith.select %lt3A_145, %get3A_1, %get3A_4 : vector<64x792xi1>, vector<64x792xf32>
    %swap3A_147 = arith.constant 8 : index
    %swap3A_148 = arith.constant 0 : index
    %swap3A_149 = arith.constant 0 : index
    %swap3A_150 = vector.load %arg3[%swap3A_147, %swap3A_148, %swap3A_149] : memref<32x64x792xf32, #tpu.memory_space<vmem>>, vector<1x64x792xf32>
    %swap3A_151 = vector.shape_cast %swap3A_150 : vector<1x64x792xf32> to vector<64x792xf32>
    %swap3A_152 = vector.shape_cast %select_n3A_146 : vector<64x792xf32> to vector<1x64x792xf32>
    tpu.vector_store %arg3[%swap3A_147, %swap3A_148, %swap3A_149], %swap3A_152 {strides = array<i32>} : memref<32x64x792xf32, #tpu.memory_space<vmem>>, vector<1x64x792xf32>,
    %mul3A_153 = arith.constant 32 : i32
    %mul3A_154 = arith.muli %arg0, %mul3A_153 : i32
    %add3A_155 = arith.constant 9 : i32
    %add3A_156 = arith.addi %mul3A_154, %add3A_155 : i32
    %get3A_157 = arith.index_cast %add3A_156 : i32 to index
    %get3A_158 = memref.load %arg1[%get3A_157] : memref<512xi32, #tpu.memory_space<smem>>
    %mul3A_159 = arith.constant 8 : i32
    %mul3A_160 = arith.muli %mul3A_159, %get3A_158 : i32
    %lt3A_161 = vector.broadcast %mul3A_160 : i32 to vector<64x792xi32>
    %lt3A_162 = arith.cmpi slt, %iota3A, %lt3A_161 : vector<64x792xi32>
    %select_n3A_163 = arith.select %lt3A_162, %get3A_1, %get3A_4 : vector<64x792xi1>, vector<64x792xf32>
    %swap3A_164 = arith.constant 9 : index
    %swap3A_165 = arith.constant 0 : index
    %swap3A_166 = arith.constant 0 : index
    %swap3A_167 = vector.load %arg3[%swap3A_164, %swap3A_165, %swap3A_166] : memref<32x64x792xf32, #tpu.memory_space<vmem>>, vector<1x64x792xf32>
    %swap3A_168 = vector.shape_cast %swap3A_167 : vector<1x64x792xf32> to vector<64x792xf32>
    %swap3A_169 = vector.shape_cast %select_n3A_163 : vector<64x792xf32> to vector<1x64x792xf32>
    tpu.vector_store %arg3[%swap3A_164, %swap3A_165, %swap3A_166], %swap3A_169 {strides = array<i32>} : memref<32x64x792xf32, #tpu.memory_space<vmem>>, vector<1x64x792xf32>,
    %mul3A_170 = arith.constant 32 : i32
    %mul3A_171 = arith.muli %arg0, %mul3A_170 : i32
    %add3A_172 = arith.constant 10 : i32
    %add3A_173 = arith.addi %mul3A_171, %add3A_172 : i32
    %get3A_174 = arith.index_cast %add3A_173 : i32 to index
    %get3A_175 = memref.load %arg1[%get3A_174] : memref<512xi32, #tpu.memory_space<smem>>
    %mul3A_176 = arith.constant 8 : i32
    %mul3A_177 = arith.muli %mul3A_176, %get3A_175 : i32
    %lt3A_178 = vector.broadcast %mul3A_177 : i32 to vector<64x792xi32>
    %lt3A_179 = arith.cmpi slt, %iota3A, %lt3A_178 : vector<64x792xi32>
    %select_n3A_180 = arith.select %lt3A_179, %get3A_1, %get3A_4 : vector<64x792xi1>, vector<64x792xf32>
    %swap3A_181 = arith.constant 10 : index
    %swap3A_182 = arith.constant 0 : index
    %swap3A_183 = arith.constant 0 : index
    %swap3A_184 = vector.load %arg3[%swap3A_181, %swap3A_182, %swap3A_183] : memref<32x64x792xf32, #tpu.memory_space<vmem>>, vector<1x64x792xf32>
    %swap3A_185 = vector.shape_cast %swap3A_184 : vector<1x64x792xf32> to vector<64x792xf32>
    %swap3A_186 = vector.shape_cast %select_n3A_180 : vector<64x792xf32> to vector<1x64x792xf32>
    tpu.vector_store %arg3[%swap3A_181, %swap3A_182, %swap3A_183], %swap3A_186 {strides = array<i32>} : memref<32x64x792xf32, #tpu.memory_space<vmem>>, vector<1x64x792xf32>,
    %mul3A_187 = arith.constant 32 : i32
    %mul3A_188 = arith.muli %arg0, %mul3A_187 : i32
    %add3A_189 = arith.constant 11 : i32
    %add3A_190 = arith.addi %mul3A_188, %add3A_189 : i32
    %get3A_191 = arith.index_cast %add3A_190 : i32 to index
    %get3A_192 = memref.load %arg1[%get3A_191] : memref<512xi32, #tpu.memory_space<smem>>
    %mul3A_193 = arith.constant 8 : i32
    %mul3A_194 = arith.muli %mul3A_193, %get3A_192 : i32
    %lt3A_195 = vector.broadcast %mul3A_194 : i32 to vector<64x792xi32>
    %lt3A_196 = arith.cmpi slt, %iota3A, %lt3A_195 : vector<64x792xi32>
    %select_n3A_197 = arith.select %lt3A_196, %get3A_1, %get3A_4 : vector<64x792xi1>, vector<64x792xf32>
    %swap3A_198 = arith.constant 11 : index
    %swap3A_199 = arith.constant 0 : index
    %swap3A_200 = arith.constant 0 : index
    %swap3A_201 = vector.load %arg3[%swap3A_198, %swap3A_199, %swap3A_200] : memref<32x64x792xf32, #tpu.memory_space<vmem>>, vector<1x64x792xf32>
    %swap3A_202 = vector.shape_cast %swap3A_201 : vector<1x64x792xf32> to vector<64x792xf32>
    %swap3A_203 = vector.shape_cast %select_n3A_197 : vector<64x792xf32> to vector<1x64x792xf32>
    tpu.vector_store %arg3[%swap3A_198, %swap3A_199, %swap3A_200], %swap3A_203 {strides = array<i32>} : memref<32x64x792xf32, #tpu.memory_space<vmem>>, vector<1x64x792xf32>,
    %mul3A_204 = arith.constant 32 : i32
    %mul3A_205 = arith.muli %arg0, %mul3A_204 : i32
    %add3A_206 = arith.constant 12 : i32
    %add3A_207 = arith.addi %mul3A_205, %add3A_206 : i32
    %get3A_208 = arith.index_cast %add3A_207 : i32 to index
    %get3A_209 = memref.load %arg1[%get3A_208] : memref<512xi32, #tpu.memory_space<smem>>
    %mul3A_210 = arith.constant 8 : i32
    %mul3A_211 = arith.muli %mul3A_210, %get3A_209 : i32
    %lt3A_212 = vector.broadcast %mul3A_211 : i32 to vector<64x792xi32>
    %lt3A_213 = arith.cmpi slt, %iota3A, %lt3A_212 : vector<64x792xi32>
    %select_n3A_214 = arith.select %lt3A_213, %get3A_1, %get3A_4 : vector<64x792xi1>, vector<64x792xf32>
    %swap3A_215 = arith.constant 12 : index
    %swap3A_216 = arith.constant 0 : index
    %swap3A_217 = arith.constant 0 : index
    %swap3A_218 = vector.load %arg3[%swap3A_215, %swap3A_216, %swap3A_217] : memref<32x64x792xf32, #tpu.memory_space<vmem>>, vector<1x64x792xf32>
    %swap3A_219 = vector.shape_cast %swap3A_218 : vector<1x64x792xf32> to vector<64x792xf32>
    %swap3A_220 = vector.shape_cast %select_n3A_214 : vector<64x792xf32> to vector<1x64x792xf32>
    tpu.vector_store %arg3[%swap3A_215, %swap3A_216, %swap3A_217], %swap3A_220 {strides = array<i32>} : memref<32x64x792xf32, #tpu.memory_space<vmem>>, vector<1x64x792xf32>,
    %mul3A_221 = arith.constant 32 : i32
    %mul3A_222 = arith.muli %arg0, %mul3A_221 : i32
    %add3A_223 = arith.constant 13 : i32
    %add3A_224 = arith.addi %mul3A_222, %add3A_223 : i32
    %get3A_225 = arith.index_cast %add3A_224 : i32 to index
    %get3A_226 = memref.load %arg1[%get3A_225] : memref<512xi32, #tpu.memory_space<smem>>
    %mul3A_227 = arith.constant 8 : i32
    %mul3A_228 = arith.muli %mul3A_227, %get3A_226 : i32
    %lt3A_229 = vector.broadcast %mul3A_228 : i32 to vector<64x792xi32>
    %lt3A_230 = arith.cmpi slt, %iota3A, %lt3A_229 : vector<64x792xi32>
    %select_n3A_231 = arith.select %lt3A_230, %get3A_1, %get3A_4 : vector<64x792xi1>, vector<64x792xf32>
    %swap3A_232 = arith.constant 13 : index
    %swap3A_233 = arith.constant 0 : index
    %swap3A_234 = arith.constant 0 : index
    %swap3A_235 = vector.load %arg3[%swap3A_232, %swap3A_233, %swap3A_234] : memref<32x64x792xf32, #tpu.memory_space<vmem>>, vector<1x64x792xf32>
    %swap3A_236 = vector.shape_cast %swap3A_235 : vector<1x64x792xf32> to vector<64x792xf32>
    %swap3A_237 = vector.shape_cast %select_n3A_231 : vector<64x792xf32> to vector<1x64x792xf32>
    tpu.vector_store %arg3[%swap3A_232, %swap3A_233, %swap3A_234], %swap3A_237 {strides = array<i32>} : memref<32x64x792xf32, #tpu.memory_space<vmem>>, vector<1x64x792xf32>,
    %mul3A_238 = arith.constant 32 : i32
    %mul3A_239 = arith.muli %arg0, %mul3A_238 : i32
    %add3A_240 = arith.constant 14 : i32
    %add3A_241 = arith.addi %mul3A_239, %add3A_240 : i32
    %get3A_242 = arith.index_cast %add3A_241 : i32 to index
    %get3A_243 = memref.load %arg1[%get3A_242] : memref<512xi32, #tpu.memory_space<smem>>
    %mul3A_244 = arith.constant 8 : i32
    %mul3A_245 = arith.muli %mul3A_244, %get3A_243 : i32
    %lt3A_246 = vector.broadcast %mul3A_245 : i32 to vector<64x792xi32>
    %lt3A_247 = arith.cmpi slt, %iota3A, %lt3A_246 : vector<64x792xi32>
    %select_n3A_248 = arith.select %lt3A_247, %get3A_1, %get3A_4 : vector<64x792xi1>, vector<64x792xf32>
    %swap3A_249 = arith.constant 14 : index
    %swap3A_250 = arith.constant 0 : index
    %swap3A_251 = arith.constant 0 : index
    %swap3A_252 = vector.load %arg3[%swap3A_249, %swap3A_250, %swap3A_251] : memref<32x64x792xf32, #tpu.memory_space<vmem>>, vector<1x64x792xf32>
    %swap3A_253 = vector.shape_cast %swap3A_252 : vector<1x64x792xf32> to vector<64x792xf32>
    %swap3A_254 = vector.shape_cast %select_n3A_248 : vector<64x792xf32> to vector<1x64x792xf32>
    tpu.vector_store %arg3[%swap3A_249, %swap3A_250, %swap3A_251], %swap3A_254 {strides = array<i32>} : memref<32x64x792xf32, #tpu.memory_space<vmem>>, vector<1x64x792xf32>,
    %mul3A_255 = arith.constant 32 : i32
    %mul3A_256 = arith.muli %arg0, %mul3A_255 : i32
    %add3A_257 = arith.constant 15 : i32
    %add3A_258 = arith.addi %mul3A_256, %add3A_257 : i32
    %get3A_259 = arith.index_cast %add3A_258 : i32 to index
    %get3A_260 = memref.load %arg1[%get3A_259] : memref<512xi32, #tpu.memory_space<smem>>
    %mul3A_261 = arith.constant 8 : i32
    %mul3A_262 = arith.muli %mul3A_261, %get3A_260 : i32
    %lt3A_263 = vector.broadcast %mul3A_262 : i32 to vector<64x792xi32>
    %lt3A_264 = arith.cmpi slt, %iota3A, %lt3A_263 : vector<64x792xi32>
    %select_n3A_265 = arith.select %lt3A_264, %get3A_1, %get3A_4 : vector<64x792xi1>, vector<64x792xf32>
    %swap3A_266 = arith.constant 15 : index
    %swap3A_267 = arith.constant 0 : index
    %swap3A_268 = arith.constant 0 : index
    %swap3A_269 = vector.load %arg3[%swap3A_266, %swap3A_267, %swap3A_268] : memref<32x64x792xf32, #tpu.memory_space<vmem>>, vector<1x64x792xf32>
    %swap3A_270 = vector.shape_cast %swap3A_269 : vector<1x64x792xf32> to vector<64x792xf32>
    %swap3A_271 = vector.shape_cast %select_n3A_265 : vector<64x792xf32> to vector<1x64x792xf32>
    tpu.vector_store %arg3[%swap3A_266, %swap3A_267, %swap3A_268], %swap3A_271 {strides = array<i32>} : memref<32x64x792xf32, #tpu.memory_space<vmem>>, vector<1x64x792xf32>,
    %mul3A_272 = arith.constant 32 : i32
    %mul3A_273 = arith.muli %arg0, %mul3A_272 : i32
    %add3A_274 = arith.constant 16 : i32
    %add3A_275 = arith.addi %mul3A_273, %add3A_274 : i32
    %get3A_276 = arith.index_cast %add3A_275 : i32 to index
    %get3A_277 = memref.load %arg1[%get3A_276] : memref<512xi32, #tpu.memory_space<smem>>
    %mul3A_278 = arith.constant 8 : i32
    %mul3A_279 = arith.muli %mul3A_278, %get3A_277 : i32
    %lt3A_280 = vector.broadcast %mul3A_279 : i32 to vector<64x792xi32>
    %lt3A_281 = arith.cmpi slt, %iota3A, %lt3A_280 : vector<64x792xi32>
    %select_n3A_282 = arith.select %lt3A_281, %get3A_1, %get3A_4 : vector<64x792xi1>, vector<64x792xf32>
    %swap3A_283 = arith.constant 16 : index
    %swap3A_284 = arith.constant 0 : index
    %swap3A_285 = arith.constant 0 : index
    %swap3A_286 = vector.load %arg3[%swap3A_283, %swap3A_284, %swap3A_285] : memref<32x64x792xf32, #tpu.memory_space<vmem>>, vector<1x64x792xf32>
    %swap3A_287 = vector.shape_cast %swap3A_286 : vector<1x64x792xf32> to vector<64x792xf32>
    %swap3A_288 = vector.shape_cast %select_n3A_282 : vector<64x792xf32> to vector<1x64x792xf32>
    tpu.vector_store %arg3[%swap3A_283, %swap3A_284, %swap3A_285], %swap3A_288 {strides = array<i32>} : memref<32x64x792xf32, #tpu.memory_space<vmem>>, vector<1x64x792xf32>,
    %mul3A_289 = arith.constant 32 : i32
    %mul3A_290 = arith.muli %arg0, %mul3A_289 : i32
    %add3A_291 = arith.constant 17 : i32
    %add3A_292 = arith.addi %mul3A_290, %add3A_291 : i32
    %get3A_293 = arith.index_cast %add3A_292 : i32 to index
    %get3A_294 = memref.load %arg1[%get3A_293] : memref<512xi32, #tpu.memory_space<smem>>
    %mul3A_295 = arith.constant 8 : i32
    %mul3A_296 = arith.muli %mul3A_295, %get3A_294 : i32
    %lt3A_297 = vector.broadcast %mul3A_296 : i32 to vector<64x792xi32>
    %lt3A_298 = arith.cmpi slt, %iota3A, %lt3A_297 : vector<64x792xi32>
    %select_n3A_299 = arith.select %lt3A_298, %get3A_1, %get3A_4 : vector<64x792xi1>, vector<64x792xf32>
    %swap3A_300 = arith.constant 17 : index
    %swap3A_301 = arith.constant 0 : index
    %swap3A_302 = arith.constant 0 : index
    %swap3A_303 = vector.load %arg3[%swap3A_300, %swap3A_301, %swap3A_302] : memref<32x64x792xf32, #tpu.memory_space<vmem>>, vector<1x64x792xf32>
    %swap3A_304 = vector.shape_cast %swap3A_303 : vector<1x64x792xf32> to vector<64x792xf32>
    %swap3A_305 = vector.shape_cast %select_n3A_299 : vector<64x792xf32> to vector<1x64x792xf32>
    tpu.vector_store %arg3[%swap3A_300, %swap3A_301, %swap3A_302], %swap3A_305 {strides = array<i32>} : memref<32x64x792xf32, #tpu.memory_space<vmem>>, vector<1x64x792xf32>,
    %mul3A_306 = arith.constant 32 : i32
    %mul3A_307 = arith.muli %arg0, %mul3A_306 : i32
    %add3A_308 = arith.constant 18 : i32
    %add3A_309 = arith.addi %mul3A_307, %add3A_308 : i32
    %get3A_310 = arith.index_cast %add3A_309 : i32 to index
    %get3A_311 = memref.load %arg1[%get3A_310] : memref<512xi32, #tpu.memory_space<smem>>
    %mul3A_312 = arith.constant 8 : i32
    %mul3A_313 = arith.muli %mul3A_312, %get3A_311 : i32
    %lt3A_314 = vector.broadcast %mul3A_313 : i32 to vector<64x792xi32>
    %lt3A_315 = arith.cmpi slt, %iota3A, %lt3A_314 : vector<64x792xi32>
    %select_n3A_316 = arith.select %lt3A_315, %get3A_1, %get3A_4 : vector<64x792xi1>, vector<64x792xf32>
    %swap3A_317 = arith.constant 18 : index
    %swap3A_318 = arith.constant 0 : index
    %swap3A_319 = arith.constant 0 : index
    %swap3A_320 = vector.load %arg3[%swap3A_317, %swap3A_318, %swap3A_319] : memref<32x64x792xf32, #tpu.memory_space<vmem>>, vector<1x64x792xf32>
    %swap3A_321 = vector.shape_cast %swap3A_320 : vector<1x64x792xf32> to vector<64x792xf32>
    %swap3A_322 = vector.shape_cast %select_n3A_316 : vector<64x792xf32> to vector<1x64x792xf32>
    tpu.vector_store %arg3[%swap3A_317, %swap3A_318, %swap3A_319], %swap3A_322 {strides = array<i32>} : memref<32x64x792xf32, #tpu.memory_space<vmem>>, vector<1x64x792xf32>,
    %mul3A_323 = arith.constant 32 : i32
    %mul3A_324 = arith.muli %arg0, %mul3A_323 : i32
    %add3A_325 = arith.constant 19 : i32
    %add3A_326 = arith.addi %mul3A_324, %add3A_325 : i32
    %get3A_327 = arith.index_cast %add3A_326 : i32 to index
    %get3A_328 = memref.load %arg1[%get3A_327] : memref<512xi32, #tpu.memory_space<smem>>
    %mul3A_329 = arith.constant 8 : i32
    %mul3A_330 = arith.muli %mul3A_329, %get3A_328 : i32
    %lt3A_331 = vector.broadcast %mul3A_330 : i32 to vector<64x792xi32>
    %lt3A_332 = arith.cmpi slt, %iota3A, %lt3A_331 : vector<64x792xi32>
    %select_n3A_333 = arith.select %lt3A_332, %get3A_1, %get3A_4 : vector<64x792xi1>, vector<64x792xf32>
    %swap3A_334 = arith.constant 19 : index
    %swap3A_335 = arith.constant 0 : index
    %swap3A_336 = arith.constant 0 : index
    %swap3A_337 = vector.load %arg3[%swap3A_334, %swap3A_335, %swap3A_336] : memref<32x64x792xf32, #tpu.memory_space<vmem>>, vector<1x64x792xf32>
    %swap3A_338 = vector.shape_cast %swap3A_337 : vector<1x64x792xf32> to vector<64x792xf32>
    %swap3A_339 = vector.shape_cast %select_n3A_333 : vector<64x792xf32> to vector<1x64x792xf32>
    tpu.vector_store %arg3[%swap3A_334, %swap3A_335, %swap3A_336], %swap3A_339 {strides = array<i32>} : memref<32x64x792xf32, #tpu.memory_space<vmem>>, vector<1x64x792xf32>,
    %mul3A_340 = arith.constant 32 : i32
    %mul3A_341 = arith.muli %arg0, %mul3A_340 : i32
    %add3A_342 = arith.constant 20 : i32
    %add3A_343 = arith.addi %mul3A_341, %add3A_342 : i32
    %get3A_344 = arith.index_cast %add3A_343 : i32 to index
    %get3A_345 = memref.load %arg1[%get3A_344] : memref<512xi32, #tpu.memory_space<smem>>
    %mul3A_346 = arith.constant 8 : i32
    %mul3A_347 = arith.muli %mul3A_346, %get3A_345 : i32
    %lt3A_348 = vector.broadcast %mul3A_347 : i32 to vector<64x792xi32>
    %lt3A_349 = arith.cmpi slt, %iota3A, %lt3A_348 : vector<64x792xi32>
    %select_n3A_350 = arith.select %lt3A_349, %get3A_1, %get3A_4 : vector<64x792xi1>, vector<64x792xf32>
    %swap3A_351 = arith.constant 20 : index
    %swap3A_352 = arith.constant 0 : index
    %swap3A_353 = arith.constant 0 : index
    %swap3A_354 = vector.load %arg3[%swap3A_351, %swap3A_352, %swap3A_353] : memref<32x64x792xf32, #tpu.memory_space<vmem>>, vector<1x64x792xf32>
    %swap3A_355 = vector.shape_cast %swap3A_354 : vector<1x64x792xf32> to vector<64x792xf32>
    %swap3A_356 = vector.shape_cast %select_n3A_350 : vector<64x792xf32> to vector<1x64x792xf32>
    tpu.vector_store %arg3[%swap3A_351, %swap3A_352, %swap3A_353], %swap3A_356 {strides = array<i32>} : memref<32x64x792xf32, #tpu.memory_space<vmem>>, vector<1x64x792xf32>,
    %mul3A_357 = arith.constant 32 : i32
    %mul3A_358 = arith.muli %arg0, %mul3A_357 : i32
    %add3A_359 = arith.constant 21 : i32
    %add3A_360 = arith.addi %mul3A_358, %add3A_359 : i32
    %get3A_361 = arith.index_cast %add3A_360 : i32 to index
    %get3A_362 = memref.load %arg1[%get3A_361] : memref<512xi32, #tpu.memory_space<smem>>
    %mul3A_363 = arith.constant 8 : i32
    %mul3A_364 = arith.muli %mul3A_363, %get3A_362 : i32
    %lt3A_365 = vector.broadcast %mul3A_364 : i32 to vector<64x792xi32>
    %lt3A_366 = arith.cmpi slt, %iota3A, %lt3A_365 : vector<64x792xi32>
    %select_n3A_367 = arith.select %lt3A_366, %get3A_1, %get3A_4 : vector<64x792xi1>, vector<64x792xf32>
    %swap3A_368 = arith.constant 21 : index
    %swap3A_369 = arith.constant 0 : index
    %swap3A_370 = arith.constant 0 : index
    %swap3A_371 = vector.load %arg3[%swap3A_368, %swap3A_369, %swap3A_370] : memref<32x64x792xf32, #tpu.memory_space<vmem>>, vector<1x64x792xf32>
    %swap3A_372 = vector.shape_cast %swap3A_371 : vector<1x64x792xf32> to vector<64x792xf32>
    %swap3A_373 = vector.shape_cast %select_n3A_367 : vector<64x792xf32> to vector<1x64x792xf32>
    tpu.vector_store %arg3[%swap3A_368, %swap3A_369, %swap3A_370], %swap3A_373 {strides = array<i32>} : memref<32x64x792xf32, #tpu.memory_space<vmem>>, vector<1x64x792xf32>,
    %mul3A_374 = arith.constant 32 : i32
    %mul3A_375 = arith.muli %arg0, %mul3A_374 : i32
    %add3A_376 = arith.constant 22 : i32
    %add3A_377 = arith.addi %mul3A_375, %add3A_376 : i32
    %get3A_378 = arith.index_cast %add3A_377 : i32 to index
    %get3A_379 = memref.load %arg1[%get3A_378] : memref<512xi32, #tpu.memory_space<smem>>
    %mul3A_380 = arith.constant 8 : i32
    %mul3A_381 = arith.muli %mul3A_380, %get3A_379 : i32
    %lt3A_382 = vector.broadcast %mul3A_381 : i32 to vector<64x792xi32>
    %lt3A_383 = arith.cmpi slt, %iota3A, %lt3A_382 : vector<64x792xi32>
    %select_n3A_384 = arith.select %lt3A_383, %get3A_1, %get3A_4 : vector<64x792xi1>, vector<64x792xf32>
    %swap3A_385 = arith.constant 22 : index
    %swap3A_386 = arith.constant 0 : index
    %swap3A_387 = arith.constant 0 : index
    %swap3A_388 = vector.load %arg3[%swap3A_385, %swap3A_386, %swap3A_387] : memref<32x64x792xf32, #tpu.memory_space<vmem>>, vector<1x64x792xf32>
    %swap3A_389 = vector.shape_cast %swap3A_388 : vector<1x64x792xf32> to vector<64x792xf32>
    %swap3A_390 = vector.shape_cast %select_n3A_384 : vector<64x792xf32> to vector<1x64x792xf32>
    tpu.vector_store %arg3[%swap3A_385, %swap3A_386, %swap3A_387], %swap3A_390 {strides = array<i32>} : memref<32x64x792xf32, #tpu.memory_space<vmem>>, vector<1x64x792xf32>,
    %mul3A_391 = arith.constant 32 : i32
    %mul3A_392 = arith.muli %arg0, %mul3A_391 : i32
    %add3A_393 = arith.constant 23 : i32
    %add3A_394 = arith.addi %mul3A_392, %add3A_393 : i32
    %get3A_395 = arith.index_cast %add3A_394 : i32 to index
    %get3A_396 = memref.load %arg1[%get3A_395] : memref<512xi32, #tpu.memory_space<smem>>
    %mul3A_397 = arith.constant 8 : i32
    %mul3A_398 = arith.muli %mul3A_397, %get3A_396 : i32
    %lt3A_399 = vector.broadcast %mul3A_398 : i32 to vector<64x792xi32>
    %lt3A_400 = arith.cmpi slt, %iota3A, %lt3A_399 : vector<64x792xi32>
    %select_n3A_401 = arith.select %lt3A_400, %get3A_1, %get3A_4 : vector<64x792xi1>, vector<64x792xf32>
    %swap3A_402 = arith.constant 23 : index
    %swap3A_403 = arith.constant 0 : index
    %swap3A_404 = arith.constant 0 : index
    %swap3A_405 = vector.load %arg3[%swap3A_402, %swap3A_403, %swap3A_404] : memref<32x64x792xf32, #tpu.memory_space<vmem>>, vector<1x64x792xf32>
    %swap3A_406 = vector.shape_cast %swap3A_405 : vector<1x64x792xf32> to vector<64x792xf32>
    %swap3A_407 = vector.shape_cast %select_n3A_401 : vector<64x792xf32> to vector<1x64x792xf32>
    tpu.vector_store %arg3[%swap3A_402, %swap3A_403, %swap3A_404], %swap3A_407 {strides = array<i32>} : memref<32x64x792xf32, #tpu.memory_space<vmem>>, vector<1x64x792xf32>,
    %mul3A_408 = arith.constant 32 : i32
    %mul3A_409 = arith.muli %arg0, %mul3A_408 : i32
    %add3A_410 = arith.constant 24 : i32
    %add3A_411 = arith.addi %mul3A_409, %add3A_410 : i32
    %get3A_412 = arith.index_cast %add3A_411 : i32 to index
    %get3A_413 = memref.load %arg1[%get3A_412] : memref<512xi32, #tpu.memory_space<smem>>
    %mul3A_414 = arith.constant 8 : i32
    %mul3A_415 = arith.muli %mul3A_414, %get3A_413 : i32
    %lt3A_416 = vector.broadcast %mul3A_415 : i32 to vector<64x792xi32>
    %lt3A_417 = arith.cmpi slt, %iota3A, %lt3A_416 : vector<64x792xi32>
    %select_n3A_418 = arith.select %lt3A_417, %get3A_1, %get3A_4 : vector<64x792xi1>, vector<64x792xf32>
    %swap3A_419 = arith.constant 24 : index
    %swap3A_420 = arith.constant 0 : index
    %swap3A_421 = arith.constant 0 : index
    %swap3A_422 = vector.load %arg3[%swap3A_419, %swap3A_420, %swap3A_421] : memref<32x64x792xf32, #tpu.memory_space<vmem>>, vector<1x64x792xf32>
    %swap3A_423 = vector.shape_cast %swap3A_422 : vector<1x64x792xf32> to vector<64x792xf32>
    %swap3A_424 = vector.shape_cast %select_n3A_418 : vector<64x792xf32> to vector<1x64x792xf32>
    tpu.vector_store %arg3[%swap3A_419, %swap3A_420, %swap3A_421], %swap3A_424 {strides = array<i32>} : memref<32x64x792xf32, #tpu.memory_space<vmem>>, vector<1x64x792xf32>,
    %mul3A_425 = arith.constant 32 : i32
    %mul3A_426 = arith.muli %arg0, %mul3A_425 : i32
    %add3A_427 = arith.constant 25 : i32
    %add3A_428 = arith.addi %mul3A_426, %add3A_427 : i32
    %get3A_429 = arith.index_cast %add3A_428 : i32 to index
    %get3A_430 = memref.load %arg1[%get3A_429] : memref<512xi32, #tpu.memory_space<smem>>
    %mul3A_431 = arith.constant 8 : i32
    %mul3A_432 = arith.muli %mul3A_431, %get3A_430 : i32
    %lt3A_433 = vector.broadcast %mul3A_432 : i32 to vector<64x792xi32>
    %lt3A_434 = arith.cmpi slt, %iota3A, %lt3A_433 : vector<64x792xi32>
    %select_n3A_435 = arith.select %lt3A_434, %get3A_1, %get3A_4 : vector<64x792xi1>, vector<64x792xf32>
    %swap3A_436 = arith.constant 25 : index
    %swap3A_437 = arith.constant 0 : index
    %swap3A_438 = arith.constant 0 : index
    %swap3A_439 = vector.load %arg3[%swap3A_436, %swap3A_437, %swap3A_438] : memref<32x64x792xf32, #tpu.memory_space<vmem>>, vector<1x64x792xf32>
    %swap3A_440 = vector.shape_cast %swap3A_439 : vector<1x64x792xf32> to vector<64x792xf32>
    %swap3A_441 = vector.shape_cast %select_n3A_435 : vector<64x792xf32> to vector<1x64x792xf32>
    tpu.vector_store %arg3[%swap3A_436, %swap3A_437, %swap3A_438], %swap3A_441 {strides = array<i32>} : memref<32x64x792xf32, #tpu.memory_space<vmem>>, vector<1x64x792xf32>,
    %mul3A_442 = arith.constant 32 : i32
    %mul3A_443 = arith.muli %arg0, %mul3A_442 : i32
    %add3A_444 = arith.constant 26 : i32
    %add3A_445 = arith.addi %mul3A_443, %add3A_444 : i32
    %get3A_446 = arith.index_cast %add3A_445 : i32 to index
    %get3A_447 = memref.load %arg1[%get3A_446] : memref<512xi32, #tpu.memory_space<smem>>
    %mul3A_448 = arith.constant 8 : i32
    %mul3A_449 = arith.muli %mul3A_448, %get3A_447 : i32
    %lt3A_450 = vector.broadcast %mul3A_449 : i32 to vector<64x792xi32>
    %lt3A_451 = arith.cmpi slt, %iota3A, %lt3A_450 : vector<64x792xi32>
    %select_n3A_452 = arith.select %lt3A_451, %get3A_1, %get3A_4 : vector<64x792xi1>, vector<64x792xf32>
    %swap3A_453 = arith.constant 26 : index
    %swap3A_454 = arith.constant 0 : index
    %swap3A_455 = arith.constant 0 : index
    %swap3A_456 = vector.load %arg3[%swap3A_453, %swap3A_454, %swap3A_455] : memref<32x64x792xf32, #tpu.memory_space<vmem>>, vector<1x64x792xf32>
    %swap3A_457 = vector.shape_cast %swap3A_456 : vector<1x64x792xf32> to vector<64x792xf32>
    %swap3A_458 = vector.shape_cast %select_n3A_452 : vector<64x792xf32> to vector<1x64x792xf32>
    tpu.vector_store %arg3[%swap3A_453, %swap3A_454, %swap3A_455], %swap3A_458 {strides = array<i32>} : memref<32x64x792xf32, #tpu.memory_space<vmem>>, vector<1x64x792xf32>,
    %mul3A_459 = arith.constant 32 : i32
    %mul3A_460 = arith.muli %arg0, %mul3A_459 : i32
    %add3A_461 = arith.constant 27 : i32
    %add3A_462 = arith.addi %mul3A_460, %add3A_461 : i32
    %get3A_463 = arith.index_cast %add3A_462 : i32 to index
    %get3A_464 = memref.load %arg1[%get3A_463] : memref<512xi32, #tpu.memory_space<smem>>
    %mul3A_465 = arith.constant 8 : i32
    %mul3A_466 = arith.muli %mul3A_465, %get3A_464 : i32
    %lt3A_467 = vector.broadcast %mul3A_466 : i32 to vector<64x792xi32>
    %lt3A_468 = arith.cmpi slt, %iota3A, %lt3A_467 : vector<64x792xi32>
    %select_n3A_469 = arith.select %lt3A_468, %get3A_1, %get3A_4 : vector<64x792xi1>, vector<64x792xf32>
    %swap3A_470 = arith.constant 27 : index
    %swap3A_471 = arith.constant 0 : index
    %swap3A_472 = arith.constant 0 : index
    %swap3A_473 = vector.load %arg3[%swap3A_470, %swap3A_471, %swap3A_472] : memref<32x64x792xf32, #tpu.memory_space<vmem>>, vector<1x64x792xf32>
    %swap3A_474 = vector.shape_cast %swap3A_473 : vector<1x64x792xf32> to vector<64x792xf32>
    %swap3A_475 = vector.shape_cast %select_n3A_469 : vector<64x792xf32> to vector<1x64x792xf32>
    tpu.vector_store %arg3[%swap3A_470, %swap3A_471, %swap3A_472], %swap3A_475 {strides = array<i32>} : memref<32x64x792xf32, #tpu.memory_space<vmem>>, vector<1x64x792xf32>,
    %mul3A_476 = arith.constant 32 : i32
    %mul3A_477 = arith.muli %arg0, %mul3A_476 : i32
    %add3A_478 = arith.constant 28 : i32
    %add3A_479 = arith.addi %mul3A_477, %add3A_478 : i32
    %get3A_480 = arith.index_cast %add3A_479 : i32 to index
    %get3A_481 = memref.load %arg1[%get3A_480] : memref<512xi32, #tpu.memory_space<smem>>
    %mul3A_482 = arith.constant 8 : i32
    %mul3A_483 = arith.muli %mul3A_482, %get3A_481 : i32
    %lt3A_484 = vector.broadcast %mul3A_483 : i32 to vector<64x792xi32>
    %lt3A_485 = arith.cmpi slt, %iota3A, %lt3A_484 : vector<64x792xi32>
    %select_n3A_486 = arith.select %lt3A_485, %get3A_1, %get3A_4 : vector<64x792xi1>, vector<64x792xf32>
    %swap3A_487 = arith.constant 28 : index
    %swap3A_488 = arith.constant 0 : index
    %swap3A_489 = arith.constant 0 : index
    %swap3A_490 = vector.load %arg3[%swap3A_487, %swap3A_488, %swap3A_489] : memref<32x64x792xf32, #tpu.memory_space<vmem>>, vector<1x64x792xf32>
    %swap3A_491 = vector.shape_cast %swap3A_490 : vector<1x64x792xf32> to vector<64x792xf32>
    %swap3A_492 = vector.shape_cast %select_n3A_486 : vector<64x792xf32> to vector<1x64x792xf32>
    tpu.vector_store %arg3[%swap3A_487, %swap3A_488, %swap3A_489], %swap3A_492 {strides = array<i32>} : memref<32x64x792xf32, #tpu.memory_space<vmem>>, vector<1x64x792xf32>,
    %mul3A_493 = arith.constant 32 : i32
    %mul3A_494 = arith.muli %arg0, %mul3A_493 : i32
    %add3A_495 = arith.constant 29 : i32
    %add3A_496 = arith.addi %mul3A_494, %add3A_495 : i32
    %get3A_497 = arith.index_cast %add3A_496 : i32 to index
    %get3A_498 = memref.load %arg1[%get3A_497] : memref<512xi32, #tpu.memory_space<smem>>
    %mul3A_499 = arith.constant 8 : i32
    %mul3A_500 = arith.muli %mul3A_499, %get3A_498 : i32
    %lt3A_501 = vector.broadcast %mul3A_500 : i32 to vector<64x792xi32>
    %lt3A_502 = arith.cmpi slt, %iota3A, %lt3A_501 : vector<64x792xi32>
    %select_n3A_503 = arith.select %lt3A_502, %get3A_1, %get3A_4 : vector<64x792xi1>, vector<64x792xf32>
    %swap3A_504 = arith.constant 29 : index
    %swap3A_505 = arith.constant 0 : index
    %swap3A_506 = arith.constant 0 : index
    %swap3A_507 = vector.load %arg3[%swap3A_504, %swap3A_505, %swap3A_506] : memref<32x64x792xf32, #tpu.memory_space<vmem>>, vector<1x64x792xf32>
    %swap3A_508 = vector.shape_cast %swap3A_507 : vector<1x64x792xf32> to vector<64x792xf32>
    %swap3A_509 = vector.shape_cast %select_n3A_503 : vector<64x792xf32> to vector<1x64x792xf32>
    tpu.vector_store %arg3[%swap3A_504, %swap3A_505, %swap3A_506], %swap3A_509 {strides = array<i32>} : memref<32x64x792xf32, #tpu.memory_space<vmem>>, vector<1x64x792xf32>,
    %mul3A_510 = arith.constant 32 : i32
    %mul3A_511 = arith.muli %arg0, %mul3A_510 : i32
    %add3A_512 = arith.constant 30 : i32
    %add3A_513 = arith.addi %mul3A_511, %add3A_512 : i32
    %get3A_514 = arith.index_cast %add3A_513 : i32 to index
    %get3A_515 = memref.load %arg1[%get3A_514] : memref<512xi32, #tpu.memory_space<smem>>
    %mul3A_516 = arith.constant 8 : i32
    %mul3A_517 = arith.muli %mul3A_516, %get3A_515 : i32
    %lt3A_518 = vector.broadcast %mul3A_517 : i32 to vector<64x792xi32>
    %lt3A_519 = arith.cmpi slt, %iota3A, %lt3A_518 : vector<64x792xi32>
    %select_n3A_520 = arith.select %lt3A_519, %get3A_1, %get3A_4 : vector<64x792xi1>, vector<64x792xf32>
    %swap3A_521 = arith.constant 30 : index
    %swap3A_522 = arith.constant 0 : index
    %swap3A_523 = arith.constant 0 : index
    %swap3A_524 = vector.load %arg3[%swap3A_521, %swap3A_522, %swap3A_523] : memref<32x64x792xf32, #tpu.memory_space<vmem>>, vector<1x64x792xf32>
    %swap3A_525 = vector.shape_cast %swap3A_524 : vector<1x64x792xf32> to vector<64x792xf32>
    %swap3A_526 = vector.shape_cast %select_n3A_520 : vector<64x792xf32> to vector<1x64x792xf32>
    tpu.vector_store %arg3[%swap3A_521, %swap3A_522, %swap3A_523], %swap3A_526 {strides = array<i32>} : memref<32x64x792xf32, #tpu.memory_space<vmem>>, vector<1x64x792xf32>,
    %mul3A_527 = arith.constant 32 : i32
    %mul3A_528 = arith.muli %arg0, %mul3A_527 : i32
    %add3A_529 = arith.constant 31 : i32
    %add3A_530 = arith.addi %mul3A_528, %add3A_529 : i32
    %get3A_531 = arith.index_cast %add3A_530 : i32 to index
    %get3A_532 = memref.load %arg1[%get3A_531] : memref<512xi32, #tpu.memory_space<smem>>
    %mul3A_533 = arith.constant 8 : i32
    %mul3A_534 = arith.muli %mul3A_533, %get3A_532 : i32
    %lt3A_535 = vector.broadcast %mul3A_534 : i32 to vector<64x792xi32>
    %lt3A_536 = arith.cmpi slt, %iota3A, %lt3A_535 : vector<64x792xi32>
    %select_n3A_537 = arith.select %lt3A_536, %get3A_1, %get3A_4 : vector<64x792xi1>, vector<64x792xf32>
    %swap3A_538 = arith.constant 31 : index
    %swap3A_539 = arith.constant 0 : index
    %swap3A_540 = arith.constant 0 : index
    %swap3A_541 = vector.load %arg3[%swap3A_538, %swap3A_539, %swap3A_540] : memref<32x64x792xf32, #tpu.memory_space<vmem>>, vector<1x64x792xf32>
    %swap3A_542 = vector.shape_cast %swap3A_541 : vector<1x64x792xf32> to vector<64x792xf32>
    %swap3A_543 = vector.shape_cast %select_n3A_537 : vector<64x792xf32> to vector<1x64x792xf32>
    tpu.vector_store %arg3[%swap3A_538, %swap3A_539, %swap3A_540], %swap3A_543 {strides = array<i32>} : memref<32x64x792xf32, #tpu.memory_space<vmem>>, vector<1x64x792xf32>,
    return
  }
  func.func @transform_0(%arg0: i32, %arg1: memref<512xi32, #tpu.memory_space<smem>>) -> (i32, i32) {
    %c0_i32 = arith.constant 0 : i32
    %c0_i32_0 = arith.constant 0 : i32
    %c0_i32_1 = arith.constant 0 : i32
    return %c0_i32, %c0_i32_0 : i32, i32
  }
  func.func @transform_1(%arg0: i32, %arg1: memref<512xi32, #tpu.memory_space<smem>>) -> (i32, i32, i32) {
    %c0_i32 = arith.constant 0 : i32
    %c0_i32_0 = arith.constant 0 : i32
    %c0_i32_1 = arith.constant 0 : i32
    return %arg0, %c0_i32, %c0_i32_0 : i32, i32, i32
  }
}

</mosaic_0001>

<sc_bundles>
// kernel: kernel.4.cloned.1.call-start
scs
__scs_entry_jumppad:
0x0: {  	(pc) =	sbr.rel $0x88, $3  }
0x1: {  	(tag) =	ssettag $0x0;
	lr =	simm.s32 $0x1  }
0x2: {  	[smem:$0x3F9F] =	sst lr;
	_ =	strace $0xD0000000  }
0x3: {  	_ = 	snop  }
0x4: {  	_ = 	snop  }
0x5: {  	_ = 	snop  }
0x6: {  	_ = 	snop  }
0x7: {  	_ = 	snop  }
__scs_overlays_trampoline_lowered:
0x8: {  	[smem:$0x3FAE] =	sst s0  }
0x9: {  	[smem:$0x3FAF] =	sst s1  }
0xa: {  	[smem:$0x3FB0] =	sst s2  }
0xb: {  	[smem:$0x3FB1] =	sst s3  }
0xc: {  	[smem:$0x3FB2] =	sst s4  }
0xd: {  	[smem:$0x3FB3] =	sst s5  }
0xe: {  	[smem:$0x3FB4] =	sst s6  }
0xf: {  	[smem:$0x3FB5] =	sst s7  }
0x10: {  	[smem:$0x3FB6] =	sst s8  }
0x11: {  	[smem:$0x3FB7] =	sst s9;
	s0 =	simm.s32 @!p0 $0x0  }
0x12: {  	s1 =	sld [smem:$0x3F9D];
	s0 =	simm.s32 @p0 $0x1  }
0x13: {  	[smem:$0x3FB8] =	sst s0;
	s0 =	simm.s32 @!p1 $0x0  }
0x14: {  	s2 =	sld [smem:$0x3F9C];
	s0 =	simm.s32 @p1 $0x1  }
0x15: {  	[smem:$0x3FB9] =	sst s0;
	s0 =	simm.s32 @!p2 $0x0  }
0x16: {  	s3 =	sld [smem:$0x3FDB];
	s0 =	simm.s32 @p2 $0x1  }
0x17: {  	s4 =	simm.s32 $0x1BF5;
	[smem:$0x3FBB] =	sst s0  }
0x18: {  	s0 =	sld [smem:$0x3F9E];
	_ =	swait.ge [sflag:s4], $0x0  }
0x19: {  	s7 =	sld [smem:$0x3F9F]  }
0x1a: {  	s8 =	sadd.s32 $0xFFFFE003, lr  }
0x1b: {  	s9 =	sadd.s32 $0xFFFFFEF7, lr;
	s5 =	simm.s32 $0xFFFFFFFF;
	p2 =	slt.u32 s8, $0xFFFFF086  }
0x1c: {  	p1 =	slt.u32 s9, $0xF7A;
	s5 =	simm.s32 @!p2 $0x0  }
0x1d: {  	s5 =	simm.s32 @p1 $0x1;
	p0 =	seq.s32 s7, s2  }
0x1e: {  	s7 =	smul.u32 @!p0 $0xF7A, s2;
	p2 =	seq.s32 @!p0 s5, $0x0  }
0x1f: {  	s9 =	smul.u32 $0xF7A, s1;
	s8 =	simm.s32 @!p0 $0x1BF5;
	p2 =	por !p2, p0  }
0x20: {  	[sflag:s8] =	ssyncset.s32 @!p0 $0xFFFFF086;
	s6 =	sadd.s32 @!p0 s3, s7;
	s7 =	simm.s32 @!p0 $0x108  }
0x21: {  	s3 =	sadd.s32 s3, s9;
	s6 =	sadd.s32 @!p0 $0x88, s6;
	s7 =	simm.s32 @p2 $0x1082  }
0x22: {  	[simem:s7], [sflag:s8] =	dma.local @!p0 [hbm:s6], $0xF7A  }
0x23: {  	s9 =	sor.u32 $0xD0000000, s2;
	s6 =	simm.s32 $0x108;
	_ =	swait.ge @!p0 [sflag:s8], $0x0  }
0x24: {  	s3 =	sadd.s32 $0x88, s3;
	s6 =	simm.s32 @!p1 $0x1082;
	[sflag:s4] =	ssyncset.s32 $0xFFFFF086  }
0x25: {  	[simem:s6], [sflag:s4] =	dma.local [hbm:s3], $0xF7A  }
0x26: {  	[smem:$0x3F9F] =	sst s1;
	(tag) =	ssettag s2;
	_ =	strace s9  }
0x27: {  	s1 =	sld [smem:$0x3FAF]  }
0x28: {  	s2 =	sld [smem:$0x3FB0]  }
0x29: {  	s4 =	sld [smem:$0x3FB2]  }
0x2a: {  	p0 =	seq.s32 s5, $0x0;
	s5 =	sld [smem:$0x3FB3]  }
0x2b: {  	s6 =	sld [smem:$0x3FB4]  }
0x2c: {  	s7 =	sld [smem:$0x3FB5]  }
0x2d: {  	s3 =	simm.s32 $0x108;
	s8 =	sld [smem:$0x3FB6]  }
0x2e: {  	s3 =	simm.s32 @!p0 $0x1082;
	s9 =	sld [smem:$0x3FB7]  }
0x2f: {  	lr =	sadd.s32 s0, s3;
	s0 =	sld [smem:$0x3FAE]  }
0x30: {  	s3 =	sld [smem:$0x3FB1]  }
0x31: {  	[smem:$0x3FBA] =	sst s10  }
0x32: {  	s10 =	sld [smem:$0x3FB8];
	_ =	sdelay $0x3  }
0x33: {  	p0 =	seq.s32 s10, $0x1;
	s10 =	sld [smem:$0x3FBA];
	_ =	sdelay $0x3  }
0x34: {  	[smem:$0x3FBA] =	sst s10  }
0x35: {  	s10 =	sld [smem:$0x3FB9];
	_ =	sdelay $0x3  }
0x36: {  	p1 =	seq.s32 s10, $0x1;
	s10 =	sld [smem:$0x3FBA];
	_ =	sdelay $0x3  }
0x37: {  	[smem:$0x3FBA] =	sst s10  }
0x38: {  	s10 =	sld [smem:$0x3FBB]  }
0x39: {  	_ = 	snop;
	(pc) =	sbr.ind lr, $3  }
0x3a: {  	_ = 	snop  }
0x3b: {  	_ = 	snop  }
0x3c: {  	p2 =	seq.s32 s10, $0x1;
	s10 =	sld [smem:$0x3FBA]  }
0x3d: {  	_ =	shalt  }
0x3e: {  	_ =	shalt  }
0x3f: {  	_ =	shalt  }
0x40: {  	_ =	shalt  }
0x41: {  	_ =	shalt  }
0x42: {  	_ =	shalt  }
0x43: {  	_ =	shalt  }
0x44: {  	_ =	shalt  }
0x45: {  	_ =	shalt  }
0x46: {  	_ =	shalt  }
0x47: {  	_ =	shalt  }
0x48: {  	_ =	shalt  }
0x49: {  	_ =	shalt  }
0x4a: {  	_ =	shalt  }
0x4b: {  	_ =	shalt  }
0x4c: {  	_ =	shalt  }
0x4d: {  	_ =	shalt  }
0x4e: {  	_ =	shalt  }
0x4f: {  	_ =	shalt  }
0x50: {  	_ =	shalt  }
0x51: {  	_ =	shalt  }
0x52: {  	_ =	shalt  }
0x53: {  	_ =	shalt  }
0x54: {  	_ =	shalt  }
0x55: {  	_ =	shalt  }
0x56: {  	_ =	shalt  }
0x57: {  	_ =	shalt  }
0x58: {  	_ =	shalt  }
0x59: {  	_ =	shalt  }
0x5a: {  	_ =	shalt  }
0x5b: {  	_ =	shalt  }
0x5c: {  	_ =	shalt  }
0x5d: {  	_ =	shalt  }
0x5e: {  	_ =	shalt  }
0x5f: {  	_ =	shalt  }
0x60: {  	_ =	shalt  }
0x61: {  	_ =	shalt  }
0x62: {  	_ =	shalt  }
0x63: {  	_ =	shalt  }
0x64: {  	_ =	shalt  }
0x65: {  	_ =	shalt  }
0x66: {  	_ =	shalt  }
0x67: {  	_ =	shalt  }
0x68: {  	_ =	shalt  }
0x69: {  	_ =	shalt  }
0x6a: {  	_ =	shalt  }
0x6b: {  	_ =	shalt  }
0x6c: {  	_ =	shalt  }
0x6d: {  	_ =	shalt  }
0x6e: {  	_ =	shalt  }
0x6f: {  	_ =	shalt  }
0x70: {  	_ =	shalt  }
0x71: {  	_ =	shalt  }
0x72: {  	_ =	shalt  }
0x73: {  	_ =	shalt  }
0x74: {  	_ =	shalt  }
0x75: {  	_ =	shalt  }
0x76: {  	_ =	shalt  }
0x77: {  	_ =	shalt  }
0x78: {  	_ =	shalt  }
0x79: {  	_ =	shalt  }
0x7a: {  	_ =	shalt  }
0x7b: {  	_ =	shalt  }
0x7c: {  	_ =	shalt  }
0x7d: {  	_ =	shalt  }
0x7e: {  	_ =	shalt  }
0x7f: {  	_ =	shalt  }
0x80: {  	_ =	shalt  }
0x81: {  	_ =	shalt  }
0x82: {  	_ =	shalt  }
0x83: {  	_ =	shalt  }
0x84: {  	_ =	shalt  }
0x85: {  	_ =	shalt  }
0x86: {  	_ =	shalt  }
0x87: {  	_ =	shalt  }
.Lfunc_end0:
.L_simem_size_0:
called_computation_lowered:
.L_overlay_start_0:
0x88: {  	s2 =	sld [smem:$0x3FD9]  }
0x89: {  	s3 =	sld [smem:$0x3FFE];
	_ =	sdelay $0x1  }
0x8a: {  	s1 =	srdreg.scid  }
0x8b: {  	s0 =	sand.u32 $0x1, s1  }
0x8c: {  	s14 =	sshll.u32 s0, $0xA;
	s2 =	sadd.s32 s3, s2  }
0x8d: {  	s2 =	sadd.s32 s2, s14  }
0x8e: {  	[smem:$0x3FC6] =	sst s2  }
0x8f: {  	_ = 	snop  }
0x90: {  	s2 =	sld [smem:$0x3FD0];
	_ =	sdelay $0x2  }
0x91: {  	s4 =	simm.s32 $0xA;
	s5 =	simm.s32 $0x10;
	s15 =	sld [smem:$0x3FC9]  }
0x92: {  	[smem:s5], [sflag:s4] =	dma.local [hbm:s2], $0x1  }
0x93: {  	_ =	swait.eq [sflag:s4], $0x1  }
0x94: {  	[sflag:s4] =	ssyncset.done $0x0  }
0x95: {  	[sflag:s4] =	ssyncadd.s32 $0xFFFFFFFF  }
0x96: {  	s16 =	sld [smem:$0x10];
	(tm) =	ssettm $0x1  }
0x97: {  	s17 =	sld [smem:$0x3FFB];
	_ =	sdelay $0x3  }
0x98: {  	_ =	strace s17  }
0x99: {  	s4 =	sld [smem:$0x3FFC];
	_ =	sdelay $0x3  }
0x9a: {  	_ =	strace s4  }
0x9b: {  	s4 =	sld [smem:$0x3FFD];
	_ =	sdelay $0x3  }
0x9c: {  	_ =	strace s4  }
0x9d: {  	_ =	strace $0x8FFFFFFF  }
0x9e: {  	s18 =	sld [smem:$0x3FDB];
	_ =	sdelay $0x1  }
0x9f: {  	s19 =	simm.s32 $_scs_section_size  }
0xa0: {  	s6 =	simm.s32 $_size__tile_overlayer_lowered;
	s7 =	simm.s32 $_tile_overlayer_lowered  }
0xa1: {  	s22 =	simm.s32 $0x1BFF;
	s21 =	sshll.u32 s7, $0x1;
	s4 =	sadd.s32 s19, s18  }
0xa2: {  	s8 =	simm.s32 $0x0;
	s20 =	sshll.u32 s6, $0x1;
	s6 =	sadd.s32 s21, s4  }
0xa3: {  	[timem:s8], [sflag:s22] =	dma.local [hbm:s6], s20  }
0xa4: {  	_ =	swait.ge [sflag:s22], s20  }
0xa5: {  	s5 =	ssub.s32 $0x0, s20;
	[sflag:s22] =	ssyncset.done $0x0  }
0xa6: {  	[sflag:s22] =	ssyncadd.s32 s5;
	_ =	sdelay $0x1  }
0xa7: {  	s23 =	simm.s32 $0x1B8B  }
0xa8: {  	_ =	swait.ge [sflag:s23], $0x1  }
0xa9: {  	[sflag:s23] =	ssyncset.done $0x0  }
0xaa: {  	s25 =	simm.s32 $0x1B8E;
	s24 =	sld [smem:$0x3FFE];
	[sflag:s23] =	ssyncadd.s32 $0xFFFFFFFF  }
0xab: {  	s26 =	simm.s32 $execute0_lowered;
	[smem:$0x3FD2] =	sst s25  }
0xac: {  	s6 =	sshll.u32 s26, $0x1;
	_ =	strace $0x80000046;
	[dreg:$0x1] =	wrdreg $0xFFFFFFFF  }
0xad: {  	s28 =	simm.s32 $_size_execute0_lowered;
	s4 =	sadd.s32 s4, s6;
	[dreg:$0x0] =	wrdreg $0x0  }
0xae: {  	s6 =	sshll.u32 s28, $0x1;
	[dreg:$0x2] =	wrdreg s4  }
0xaf: {  	[dreg:$0x3] =	wrdreg s6  }
0xb0: {  	[dreg:$0x4] =	wrdreg $0xC0  }
0xb1: {  	_ =	task [dreg:s8], $0x5FFFF  }
0xb2: {  	[dreg:$0x1] =	wrdreg $0xFFFFFFFF  }
0xb3: {  	[dreg:$0x0] =	wrdreg $0x60  }
0xb4: {  	[dreg:$0x2] =	wrdreg s15  }
0xb5: {  	[dreg:$0x3] =	wrdreg s24  }
0xb6: {  	[dreg:$0x4] =	wrdreg s16  }
0xb7: {  	[dreg:$0x5] =	wrdreg $0x9  }
0xb8: {  	_ =	task.clear_ibuf [dreg:s8], $0x6FFFF;
	_ =	strace $0x90000046  }
0xb9: {  	s29 =	simm.s32 $0x9;
	_ =	strace $0x80000048  }
0xba: {  	_ =	swait.ge [sflag:s29], $0x1  }
0xbb: {  	[sflag:s29] =	ssyncadd.s32 $0xFFFFFFFF  }
0xbc: {  	_ =	strace $0x90000048  }
0xbd: {  	_ =	sfence  }
0xbe: {  	s30 =	sld [smem:$0x0];
	_ =	sdelay $0x2  }
0xbf: {  	s31 =	sshll.u32 s1, $0xD;
	s1 =	sshrl.u32 s1, $0x2  }
0xc0: {  	s3 =	sand.u32 $0x4000, s31;
	s1 =	sadd.s32 s1, s30  }
0xc1: {  	s0 =	sor.u32 s3, s0;
	s1 =	sshll.u32 s1, $0x11  }
0xc2: {  	s0 =	sor.u32 s1, s0  }
0xc3: {  	s0 =	sadd.s32 $0x8F2B, s0  }
0xc4: {  	[sflag:s0] =	ssyncadd.remote.s32 $0x1  }
0xc5: {  	_ =	sfence.sel $0xFFFF  }
0xc6: {  	[dreg:$0x0] =	wrdreg $0xFFFFFFFF;
	(pc) =	sbr.abs _section_cstart, $3  }
0xc7: {  	[dreg:$0x1] =	wrdreg $0xFFFFFFFF  }
0xc8: {  	_ =	task.clear_ibuf [dreg:s8], $0x2FFFF;
	_ =	strace $0x9FFFFFFF  }
0xc9: {  	(tm) =	ssettm $0x7FFFFFFF  }
tec
execute0_lowered:
.L_overlay_start_1:
0x0: {  	(tag) =	ssettag $0x1  }
0x1: {  	s3 =	rddreg [dreg:$0x0]  }
0x2: {  	s1 =	srdreg.scid;
	s5 =	rddreg [dreg:$0x1]  }
0x3: {  	s0 =	stileid.u32;
	s8 =	rddreg [dreg:$0x2];
	s6 =	sand.u32 $0x1, s1  }
0x4: {  	s2 =	simm.s32 $0x0;
	s4 =	sshll.u32 s0, $0x5;
	s7 =	sshll.u32 s6, $0x4  }
0x5: {  	[smem:$0x7FF] =	sst s2;
	s9 =	sor.u32 s7, s4  }
0x6: {  	s1 =	rddreg [dreg:$0x3];
	_ =	strace $0x80000047;
	s4 =	sshrl.u32 s9, $0x3  }
0x7: {  	s10 =	ssub.s32 $0x2, s6;
	s4 =	sadd.s32 s3, s4;
	s3 =	simm.s32 $0x2  }
0x8: {  	[tilespmem:s2], [sflag:$0x2] =	stream.linear.gather [hbm4b:s4+s2], $0x10, $0x38;
	[tilespmem:$0x8010] =	vst v63  }
0x9: {  	s5 =	sadd.s32 $0x800, s5;
	s11 =	sshrl.u32 s10, $0x1;
	_ =	swait.ge [sflag:s3], $0x10  }
0xa: {  	s6 =	simm.s32 $0x10;
	s10 =	ssub.s32 s10, s11;
	[sflag:s3] =	ssyncset.done $0x0  }
0xb: {  	s7 =	simm.s32 $0x1;
	s31 =	smax.u32 s10, $0x1;
	[sflag:s3] =	ssyncadd.s32 $0xFFFFFFF0  }
0xc: {  	[tilespmem:s6], [sflag:$0x1] =	stream.indirect.gather [hbm4b:s5+s6], $0x800, s2, s6, $0xb8;
	[tilespmem:$0x8010] =	vst v63  }
0xd: {  	p0 =	sne.s32 s31, $0x1;
	_ =	swait.ge [sflag:s7], $0x8000  }
.Ltmp0:
0xe: {  	s9 =	sshll.u32 s9, $0x8;
	[sflag:s7] =	ssyncset.done $0x0;
	(pc) =	sbr.rel @!p0 .LBB2_2-.Ltmp0, $4  }
0xf: {  	s8 =	sadd.s32 s8, s9;
	[sflag:s7] =	ssyncadd.s32 $0xFFFF8000  }
0x10: {  	[hbm4b:s8+s2] =	stream.linear.scatter [tilespmem:s6], [sflag:$0x2], $0x8000, $0x38;
	[tilespmem:$0x8010] =	vst v63  }
0x11: {  	_ =	swait.ge [sflag:s3], $0x8000  }
0x12: {  	s9 =	sadd.s32 $0xFFFFFFFF, s31;
	[sflag:s3] =	ssyncset.done $0x0  }
.LBB2_1:
0x13: {  	p0 =	sne.s32 s9, $0x1;
	s9 =	sadd.s32 $0xFFFFFFFF, s9;
	[sflag:s3] =	ssyncadd.s32 $0xFFFF8000  }
0x14: {  	[tilespmem:s2], [sflag:$0x2] =	stream.linear.gather [hbm4b:s4+s2], $0x10, $0x38;
	[tilespmem:$0x8010] =	vst v63  }
0x15: {  	_ =	swait.ge [sflag:s3], $0x10  }
0x16: {  	[sflag:s3] =	ssyncset.done $0x0  }
0x17: {  	[sflag:s3] =	ssyncadd.s32 $0xFFFFFFF0  }
0x18: {  	[tilespmem:s6], [sflag:$0x1] =	stream.indirect.gather [hbm4b:s5+s6], $0x800, s2, s6, $0xb8;
	[tilespmem:$0x8010] =	vst v63  }
0x19: {  	_ =	swait.ge [sflag:s7], $0x8000  }
.Ltmp1:
0x1a: {  	[sflag:s7] =	ssyncset.done $0x0;
	(pc) =	sbr.rel @p0 .LBB2_1-.Ltmp1, $4  }
0x1b: {  	[sflag:s7] =	ssyncadd.s32 $0xFFFF8000  }
0x1c: {  	[hbm4b:s8+s2] =	stream.linear.scatter [tilespmem:s6], [sflag:$0x2], $0x8000, $0x38;
	[tilespmem:$0x8010] =	vst v63  }
0x1d: {  	_ =	swait.ge [sflag:s3], $0x8000  }
0x1e: {  	[sflag:s3] =	ssyncset.done $0x0  }
.LBB2_2:
0x1f: {  	[sflag:s3] =	ssyncadd.s32 $0xFFFF8000  }
0x20: {  	_ =	sfence.sel $0x180000  }
0x21: {  	[bflag:$0x0] =	sbarrier.arrive $0xFFFF  }
0x22: {  	p0 =	sne.s32 s0, $0x0;
	_ =	strace $0x90000047  }
0x23: {  	s0 =	sadd.s32 @!p0 $0x100000, s1;
	[bflag:$0x2] =	sbarrier.arrive $0xFFFF  }
0x24: {  	[sflag:s0] =	ssyncadd.tile.s32 @!p0 $0x1;
	_ =	shalt  }
.Lfunc_end2:
_tile_overlayer_lowered:
.L_overlay_start_2:
0x25: {  	(tag) =	ssettag $0x2  }
0x26: {  	s0 =	rddreg [dreg:$0x0];
	s2 =	stileid.u32  }
0x27: {  	s1 =	rddreg [dreg:$0x1];
	p0 =	sne.s32 s2, $0x0  }
0x28: {  	s3 =	rddreg [dreg:$0x2];
	[bflag:$0x3] =	sbarrier.arrive $0xFFFF;
	s2 =	simm.s32 @!p0 $0x1C02  }
0x29: {  	[timem:s3], [sflag:s2] =	dma.local @!p0 [hbm:s0], s1  }
0x2a: {  	s0 =	simm.s32 @!p0 $0x2  }
0x2b: {  	_ =	swait.ge @!p0 [sflag:s0], s1  }
0x2c: {  	s1 =	ssub.s32 @!p0 $0x0, s1;
	[sflag:s0] =	ssyncset.done @!p0 $0x0  }
0x2d: {  	[sflag:s0] =	ssyncadd.s32 @!p0 s1  }
0x2e: {  	[bflag:$0x3] =	sbarrier.arrive $0xFFFF  }
0x2f: {  	_ =	shalt  }

</sc_bundles>
